<compile_context>
chip_gen: v7x
topology: tpu7x:2x2x1
jax: 0.10.2.dev20260603
libtpu: 0.0.44.dev20260713+nightly
codegen_flags: <defaults>
</compile_context>

<pallas_src>
import jax
import jax.numpy as jnp
from jax import lax
from jax.experimental import pallas as pl
from jax.experimental.pallas import tpu as pltpu
from jax.experimental.pallas import tpu_sc as plsc

L = 16
NC = 2
NS = 16
NW = NC * NS
NCOL = 64
NROW_X = 1000000
NROWS_OUT = 16384
TOTAL = NROWS_OUT * NCOL
E = TOTAL // NW
GROUP = 128
NG = E // GROUP


def _gather_body(x_hbm, idx_hbm, out_hbm, fidx_v, out_v, sem):
    cid = lax.axis_index("c")
    sid = lax.axis_index("s")
    g0 = cid * (NCOL // NC) + 2 * sid
    base = g0 * NROWS_OUT
    pltpu.sync_copy(idx_hbm.at[pl.ds(base, E)], fidx_v)

    def compute(col, carry):
        off = jnp.full((L,), g0 + col, jnp.int32)
        run0 = col * NROWS_OUT

        def add_chunk(g, carry):
            p = run0 + g * L
            fidx_v[pl.ds(p, L)] = fidx_v[pl.ds(p, L)] * NCOL + off
            return carry

        return lax.fori_loop(0, NROWS_OUT // L, add_chunk, carry)

    lax.fori_loop(0, 2, compute, 0)

    def fire(r, carry):
        pltpu.async_copy(
            x_hbm.at[fidx_v.at[pl.ds(r * GROUP, GROUP)]],
            out_v.at[pl.ds(r * GROUP, GROUP)],
            sem,
        )
        return carry

    lax.fori_loop(0, NG, fire, 0)
    pltpu.make_async_copy(x_hbm.at[pl.ds(0, E)], out_v, sem).wait()

    pltpu.sync_copy(out_v, out_hbm.at[pl.ds(base, E)])


def kernel(x, dim, index):
    del dim
    xf = x.reshape(-1)
    idxf = index.astype(jnp.int32).T.reshape(-1)
    outf = pl.kernel(
        _gather_body,
        out_type=jax.ShapeDtypeStruct((TOTAL,), jnp.float32),
        mesh=plsc.VectorSubcoreMesh(core_axis_name="c", subcore_axis_name="s"),
        compiler_params=pltpu.CompilerParams(needs_layout_passes=False),
        scratch_types=[
            pltpu.VMEM((E,), jnp.int32),
            pltpu.VMEM((E,), jnp.float32),
            pltpu.SemaphoreType.DMA,
        ],
    )(xf, idxf)
    return outf.reshape(NCOL, NROWS_OUT).T

# --- scband reference (transcript-rebuilt; emitter-appended) ---
"""Pipeline reference for scband-model-51453708206355 (READ-ONLY COPY).

The authoritative reference and input builder live on the scoring server;
editing this copy changes nothing except your own understanding.
"""

import jax, jax.numpy as jnp
import numpy as np

def setup_inputs(seed: int = 0) -> dict:
    key = jax.random.key(seed)
    k1, k2 = jax.random.split(key)
    x = jax.random.normal(k1, (1000000, 64), dtype=jnp.float32)
    index = jax.random.randint(k2, (16384, 64), 0, 1000000)
    return {"x": x, "dim": 0, "index": index}

def reference(x, dim, index):
    # torch.gather(x, dim, index) == jnp.take_along_axis(x, index, axis=dim)
    return jnp.take_along_axis(x, index + dim * 0, axis=0)

if __name__ == "__main__":
    import jax
    _d = setup_inputs()
    print(jax.jit(kernel)(*tuple(_d.values())))

</pallas_src>

<mosaic_0001>
#map = affine_map<(d0, d1) -> (0)>
module attributes {stable_mosaic.version = 14 : i64} {
  func.func @_gather_body(%arg0: i32, %arg1: i32, %arg2: memref<64000000xf32, #tpu.memory_space<hbm>>, %arg3: memref<1048576xi32, #tpu.memory_space<hbm>>, %arg4: memref<1048576xf32, #tpu.memory_space<hbm>>, %arg5: memref<32768xi32, #tpu.memory_space<vmem>>, %arg6: memref<32768xf32, #tpu.memory_space<vmem>>, %arg7: memref<!tpu.dma_semaphore, #tpu.memory_space<semaphore_mem>>) attributes {dimension_semantics = [#tpu.dimension_semantics<core_parallel>, #tpu.dimension_semantics<subcore_parallel>], iteration_bounds = array<i64: 2, 16>, scalar_prefetch = 0 : i64, scratch_operands = 3 : i64, tpu.core_type = #tpu.core_type<sc_vector_subcore>, window_params = [{transform_indices = #map}, {transform_indices = #map}, {transform_indices = #map}]} {
    %mul3A = arith.constant 32 : i32
    %mul3A_0 = arith.muli %arg0, %mul3A : i32
    %mul3A_1 = arith.constant 2 : i32
    %mul3A_2 = arith.muli %mul3A_1, %arg1 : i32
    %add3A = arith.addi %mul3A_0, %mul3A_2 : i32
    %mul3A_3 = arith.constant 16384 : i32
    %mul3A_4 = arith.muli %add3A, %mul3A_3 : i32
    "tpu.region"() ({
      %run_scoped3A = tpu.sem_alloc : memref<!tpu.dma_semaphore, #tpu.memory_space<semaphore_mem>>
      %dma_start3A = tpu.memref_slice %arg3[%mul3A_4] : memref<1048576xi32, #tpu.memory_space<hbm>> -> memref<32768xi32, #tpu.memory_space<hbm>>
      %dma_start3A_19 = tpu.memref_slice %arg3[%mul3A_4] : memref<1048576xi32, #tpu.memory_space<hbm>> -> memref<32768xi32, #tpu.memory_space<hbm>>
      tpu.enqueue_dma source(%dma_start3A_19 : memref<32768xi32, #tpu.memory_space<hbm>>) target(%arg5 : memref<32768xi32, #tpu.memory_space<vmem>>) target_semaphore(%run_scoped3A : memref<!tpu.dma_semaphore, #tpu.memory_space<semaphore_mem>>)
      %dma_wait3A_20 = tpu.memref_slice %arg3[%mul3A_4] : memref<1048576xi32, #tpu.memory_space<hbm>> -> memref<32768xi32, #tpu.memory_space<hbm>>
      %dma_wait3A_21 = tpu.memref_slice %arg3[%mul3A_4] : memref<1048576xi32, #tpu.memory_space<hbm>> -> memref<32768xi32, #tpu.memory_space<hbm>>
      tpu.wait_dma2 semaphore(%run_scoped3A : memref<!tpu.dma_semaphore, #tpu.memory_space<semaphore_mem>>) src(%dma_wait3A_21 : memref<32768xi32, #tpu.memory_space<hbm>>) dst(%arg5 : memref<32768xi32, #tpu.memory_space<vmem>>)
      tpu.yield
    }) : () -> ()
    %scan3A = arith.constant 0 : i32
    %scan3A_5 = arith.constant 0 : i32
    %scan3A_6 = arith.constant 2 : i32
    %scan3A_7 = arith.addi %scan3A_5, %scan3A_6 : i32
    %scan3A_8 = arith.constant 1 : i32
    scf.for %scan3A_19 = %scan3A_5 to %scan3A_7 step %scan3A_8  : i32 {
      %add3A_20 = arith.addi %add3A, %scan3A_19 : i32
      %broadcast_in_dim3A = vector.broadcast %add3A_20 : i32 to vector<16xi32>
      %mul3A_21 = arith.constant 16384 : i32
      %mul3A_22 = arith.muli %scan3A_19, %mul3A_21 : i32
      %scan3A_23 = arith.constant 0 : i32
      %scan3A_24 = arith.constant 1024 : i32
      %scan3A_25 = arith.addi %scan3A_23, %scan3A_24 : i32
      %scan3A_26 = arith.constant 1 : i32
      scf.for %scan3A_28 = %scan3A_23 to %scan3A_25 step %scan3A_26  : i32 {
        %mul3A_29 = arith.constant 16 : i32
        %mul3A_30 = arith.muli %scan3A_28, %mul3A_29 : i32
        %add3A_31 = arith.addi %mul3A_22, %mul3A_30 : i32
        %get3A = arith.index_cast %add3A_31 : i32 to index
        %get3A_32 = tpu.vector_load %arg5[%get3A] {strides = array<i32>} : memref<32768xi32, #tpu.memory_space<vmem>>, vector<16xi32>,
        %mul3A_33 = arith.constant 64 : i32
        %mul3A_34 = vector.broadcast %mul3A_33 : i32 to vector<16xi32>
        %mul3A_35 = arith.muli %get3A_32, %mul3A_34 : vector<16xi32>
        %add3A_36 = arith.addi %mul3A_35, %broadcast_in_dim3A : vector<16xi32>
        %swap3A = arith.index_cast %add3A_31 : i32 to index
        %swap3A_37 = tpu.vector_load %arg5[%swap3A] {strides = array<i32>} : memref<32768xi32, #tpu.memory_space<vmem>>, vector<16xi32>,
        tpu.vector_store %arg5[%swap3A], %add3A_36 {strides = array<i32>} : memref<32768xi32, #tpu.memory_space<vmem>>, vector<16xi32>,
      }
      %scan3A_27 = arith.constant 1024 : i32
    }
    %scan3A_9 = arith.constant 2 : i32
    %scan3A_10 = arith.constant 0 : i32
    %scan3A_11 = arith.constant 0 : i32
    %scan3A_12 = arith.constant 256 : i32
    %scan3A_13 = arith.addi %scan3A_11, %scan3A_12 : i32
    %scan3A_14 = arith.constant 1 : i32
    scf.for %scan3A_19 = %scan3A_11 to %scan3A_13 step %scan3A_14  : i32 {
      %mul3A_20 = arith.constant 128 : i32
      %mul3A_21 = arith.muli %scan3A_19, %mul3A_20 : i32
      %mul3A_22 = arith.constant 128 : i32
      %mul3A_23 = arith.muli %scan3A_19, %mul3A_22 : i32
      %dma_start3A = tpu.memref_slice %arg6[%mul3A_23] : memref<32768xf32, #tpu.memory_space<vmem>> -> memref<128xf32, #tpu.memory_space<vmem>>
      %dma_start3A_24 = tpu.memref_slice %arg5[%mul3A_21] : memref<32768xi32, #tpu.memory_space<vmem>> -> memref<128xi32, #tpu.memory_space<vmem>>
      %dma_start3A_25 = arith.constant 0 : i32
      %dma_start3A_26 = tpu.memref_slice %arg2[%dma_start3A_25] : memref<64000000xf32, #tpu.memory_space<hbm>> -> memref<64000000xf32, #tpu.memory_space<hbm>>
      tpu.enqueue_indirect_dma source(%dma_start3A_26 : memref<64000000xf32, #tpu.memory_space<hbm>>) target(%dma_start3A : memref<128xf32, #tpu.memory_space<vmem>>) offsets(%dma_start3A_24 : memref<128xi32, #tpu.memory_space<vmem>>) semaphore(%arg7 : memref<!tpu.dma_semaphore, #tpu.memory_space<semaphore_mem>>)
    }
    %scan3A_15 = arith.constant 256 : i32
    %dma_wait3A = arith.constant 0 : i32
    %dma_wait3A_16 = tpu.memref_slice %arg2[%dma_wait3A] : memref<64000000xf32, #tpu.memory_space<hbm>> -> memref<32768xf32, #tpu.memory_space<hbm>>
    %dma_wait3A_17 = arith.constant 0 : i32
    %dma_wait3A_18 = tpu.memref_slice %arg2[%dma_wait3A_17] : memref<64000000xf32, #tpu.memory_space<hbm>> -> memref<32768xf32, #tpu.memory_space<hbm>>
    tpu.wait_dma2 semaphore(%arg7 : memref<!tpu.dma_semaphore, #tpu.memory_space<semaphore_mem>>) src(%dma_wait3A_18 : memref<32768xf32, #tpu.memory_space<hbm>>) dst(%arg6 : memref<32768xf32, #tpu.memory_space<vmem>>)
    "tpu.region"() ({
      %run_scoped3A = tpu.sem_alloc : memref<!tpu.dma_semaphore, #tpu.memory_space<semaphore_mem>>
      %dma_start3A = tpu.memref_slice %arg4[%mul3A_4] : memref<1048576xf32, #tpu.memory_space<hbm>> -> memref<32768xf32, #tpu.memory_space<hbm>>
      %dma_start3A_19 = tpu.memref_slice %arg4[%mul3A_4] : memref<1048576xf32, #tpu.memory_space<hbm>> -> memref<32768xf32, #tpu.memory_space<hbm>>
      tpu.enqueue_dma source(%arg6 : memref<32768xf32, #tpu.memory_space<vmem>>) target(%dma_start3A_19 : memref<32768xf32, #tpu.memory_space<hbm>>) target_semaphore(%run_scoped3A : memref<!tpu.dma_semaphore, #tpu.memory_space<semaphore_mem>>)
      %dma_wait3A_20 = tpu.memref_slice %arg4[%mul3A_4] : memref<1048576xf32, #tpu.memory_space<hbm>> -> memref<32768xf32, #tpu.memory_space<hbm>>
      %dma_wait3A_21 = tpu.memref_slice %arg4[%mul3A_4] : memref<1048576xf32, #tpu.memory_space<hbm>> -> memref<32768xf32, #tpu.memory_space<hbm>>
      tpu.wait_dma2 semaphore(%run_scoped3A : memref<!tpu.dma_semaphore, #tpu.memory_space<semaphore_mem>>) src(%arg6 : memref<32768xf32, #tpu.memory_space<vmem>>) dst(%dma_wait3A_21 : memref<32768xf32, #tpu.memory_space<hbm>>)
      tpu.yield
    }) : () -> ()
    return
  }
}

</mosaic_0001>

<sc_bundles>
// kernel: kernel.3.cloned.1.call-start
scs
__scs_entry_jumppad:
0x0: {  	(pc) =	sbr.rel $0x88, $3  }
0x1: {  	(tag) =	ssettag $0x0;
	lr =	simm.s32 $0x1  }
0x2: {  	[smem:$0x3F9F] =	sst lr;
	_ =	strace $0xD0000000  }
0x3: {  	_ = 	snop  }
0x4: {  	_ = 	snop  }
0x5: {  	_ = 	snop  }
0x6: {  	_ = 	snop  }
0x7: {  	_ = 	snop  }
__scs_overlays_trampoline_lowered:
0x8: {  	[smem:$0x3FAE] =	sst s0  }
0x9: {  	[smem:$0x3FAF] =	sst s1  }
0xa: {  	[smem:$0x3FB0] =	sst s2  }
0xb: {  	[smem:$0x3FB1] =	sst s3  }
0xc: {  	[smem:$0x3FB2] =	sst s4  }
0xd: {  	[smem:$0x3FB3] =	sst s5  }
0xe: {  	[smem:$0x3FB4] =	sst s6  }
0xf: {  	[smem:$0x3FB5] =	sst s7  }
0x10: {  	[smem:$0x3FB6] =	sst s8  }
0x11: {  	[smem:$0x3FB7] =	sst s9;
	s0 =	simm.s32 @!p0 $0x0  }
0x12: {  	s1 =	sld [smem:$0x3F9D];
	s0 =	simm.s32 @p0 $0x1  }
0x13: {  	[smem:$0x3FB8] =	sst s0;
	s0 =	simm.s32 @!p1 $0x0  }
0x14: {  	s2 =	sld [smem:$0x3F9C];
	s0 =	simm.s32 @p1 $0x1  }
0x15: {  	[smem:$0x3FB9] =	sst s0;
	s0 =	simm.s32 @!p2 $0x0  }
0x16: {  	s3 =	sld [smem:$0x3FDB];
	s0 =	simm.s32 @p2 $0x1  }
0x17: {  	s4 =	simm.s32 $0x1BF5;
	[smem:$0x3FBB] =	sst s0  }
0x18: {  	s0 =	sld [smem:$0x3F9E];
	_ =	swait.ge [sflag:s4], $0x0  }
0x19: {  	s7 =	sld [smem:$0x3F9F]  }
0x1a: {  	s8 =	sadd.s32 $0xFFFFE003, lr  }
0x1b: {  	s9 =	sadd.s32 $0xFFFFFEF7, lr;
	s5 =	simm.s32 $0xFFFFFFFF;
	p2 =	slt.u32 s8, $0xFFFFF086  }
0x1c: {  	p1 =	slt.u32 s9, $0xF7A;
	s5 =	simm.s32 @!p2 $0x0  }
0x1d: {  	s5 =	simm.s32 @p1 $0x1;
	p0 =	seq.s32 s7, s2  }
0x1e: {  	s7 =	smul.u32 @!p0 $0xF7A, s2;
	p2 =	seq.s32 @!p0 s5, $0x0  }
0x1f: {  	s9 =	smul.u32 $0xF7A, s1;
	s8 =	simm.s32 @!p0 $0x1BF5;
	p2 =	por !p2, p0  }
0x20: {  	[sflag:s8] =	ssyncset.s32 @!p0 $0xFFFFF086;
	s6 =	sadd.s32 @!p0 s3, s7;
	s7 =	simm.s32 @!p0 $0x108  }
0x21: {  	s3 =	sadd.s32 s3, s9;
	s6 =	sadd.s32 @!p0 $0x88, s6;
	s7 =	simm.s32 @p2 $0x1082  }
0x22: {  	[simem:s7], [sflag:s8] =	dma.local @!p0 [hbm:s6], $0xF7A  }
0x23: {  	s9 =	sor.u32 $0xD0000000, s2;
	s6 =	simm.s32 $0x108;
	_ =	swait.ge @!p0 [sflag:s8], $0x0  }
0x24: {  	s3 =	sadd.s32 $0x88, s3;
	s6 =	simm.s32 @!p1 $0x1082;
	[sflag:s4] =	ssyncset.s32 $0xFFFFF086  }
0x25: {  	[simem:s6], [sflag:s4] =	dma.local [hbm:s3], $0xF7A  }
0x26: {  	[smem:$0x3F9F] =	sst s1;
	(tag) =	ssettag s2;
	_ =	strace s9  }
0x27: {  	s1 =	sld [smem:$0x3FAF]  }
0x28: {  	s2 =	sld [smem:$0x3FB0]  }
0x29: {  	s4 =	sld [smem:$0x3FB2]  }
0x2a: {  	p0 =	seq.s32 s5, $0x0;
	s5 =	sld [smem:$0x3FB3]  }
0x2b: {  	s6 =	sld [smem:$0x3FB4]  }
0x2c: {  	s7 =	sld [smem:$0x3FB5]  }
0x2d: {  	s3 =	simm.s32 $0x108;
	s8 =	sld [smem:$0x3FB6]  }
0x2e: {  	s3 =	simm.s32 @!p0 $0x1082;
	s9 =	sld [smem:$0x3FB7]  }
0x2f: {  	lr =	sadd.s32 s0, s3;
	s0 =	sld [smem:$0x3FAE]  }
0x30: {  	s3 =	sld [smem:$0x3FB1]  }
0x31: {  	[smem:$0x3FBA] =	sst s10  }
0x32: {  	s10 =	sld [smem:$0x3FB8];
	_ =	sdelay $0x3  }
0x33: {  	p0 =	seq.s32 s10, $0x1;
	s10 =	sld [smem:$0x3FBA];
	_ =	sdelay $0x3  }
0x34: {  	[smem:$0x3FBA] =	sst s10  }
0x35: {  	s10 =	sld [smem:$0x3FB9];
	_ =	sdelay $0x3  }
0x36: {  	p1 =	seq.s32 s10, $0x1;
	s10 =	sld [smem:$0x3FBA];
	_ =	sdelay $0x3  }
0x37: {  	[smem:$0x3FBA] =	sst s10  }
0x38: {  	s10 =	sld [smem:$0x3FBB]  }
0x39: {  	_ = 	snop;
	(pc) =	sbr.ind lr, $3  }
0x3a: {  	_ = 	snop  }
0x3b: {  	_ = 	snop  }
0x3c: {  	p2 =	seq.s32 s10, $0x1;
	s10 =	sld [smem:$0x3FBA]  }
0x3d: {  	_ =	shalt  }
0x3e: {  	_ =	shalt  }
0x3f: {  	_ =	shalt  }
0x40: {  	_ =	shalt  }
0x41: {  	_ =	shalt  }
0x42: {  	_ =	shalt  }
0x43: {  	_ =	shalt  }
0x44: {  	_ =	shalt  }
0x45: {  	_ =	shalt  }
0x46: {  	_ =	shalt  }
0x47: {  	_ =	shalt  }
0x48: {  	_ =	shalt  }
0x49: {  	_ =	shalt  }
0x4a: {  	_ =	shalt  }
0x4b: {  	_ =	shalt  }
0x4c: {  	_ =	shalt  }
0x4d: {  	_ =	shalt  }
0x4e: {  	_ =	shalt  }
0x4f: {  	_ =	shalt  }
0x50: {  	_ =	shalt  }
0x51: {  	_ =	shalt  }
0x52: {  	_ =	shalt  }
0x53: {  	_ =	shalt  }
0x54: {  	_ =	shalt  }
0x55: {  	_ =	shalt  }
0x56: {  	_ =	shalt  }
0x57: {  	_ =	shalt  }
0x58: {  	_ =	shalt  }
0x59: {  	_ =	shalt  }
0x5a: {  	_ =	shalt  }
0x5b: {  	_ =	shalt  }
0x5c: {  	_ =	shalt  }
0x5d: {  	_ =	shalt  }
0x5e: {  	_ =	shalt  }
0x5f: {  	_ =	shalt  }
0x60: {  	_ =	shalt  }
0x61: {  	_ =	shalt  }
0x62: {  	_ =	shalt  }
0x63: {  	_ =	shalt  }
0x64: {  	_ =	shalt  }
0x65: {  	_ =	shalt  }
0x66: {  	_ =	shalt  }
0x67: {  	_ =	shalt  }
0x68: {  	_ =	shalt  }
0x69: {  	_ =	shalt  }
0x6a: {  	_ =	shalt  }
0x6b: {  	_ =	shalt  }
0x6c: {  	_ =	shalt  }
0x6d: {  	_ =	shalt  }
0x6e: {  	_ =	shalt  }
0x6f: {  	_ =	shalt  }
0x70: {  	_ =	shalt  }
0x71: {  	_ =	shalt  }
0x72: {  	_ =	shalt  }
0x73: {  	_ =	shalt  }
0x74: {  	_ =	shalt  }
0x75: {  	_ =	shalt  }
0x76: {  	_ =	shalt  }
0x77: {  	_ =	shalt  }
0x78: {  	_ =	shalt  }
0x79: {  	_ =	shalt  }
0x7a: {  	_ =	shalt  }
0x7b: {  	_ =	shalt  }
0x7c: {  	_ =	shalt  }
0x7d: {  	_ =	shalt  }
0x7e: {  	_ =	shalt  }
0x7f: {  	_ =	shalt  }
0x80: {  	_ =	shalt  }
0x81: {  	_ =	shalt  }
0x82: {  	_ =	shalt  }
0x83: {  	_ =	shalt  }
0x84: {  	_ =	shalt  }
0x85: {  	_ =	shalt  }
0x86: {  	_ =	shalt  }
0x87: {  	_ =	shalt  }
.Lfunc_end0:
.L_simem_size_0:
called_computation_lowered:
.L_overlay_start_0:
0x88: {  	s2 =	sld [smem:$0x3FD9]  }
0x89: {  	s3 =	sld [smem:$0x3FFE];
	_ =	sdelay $0x1  }
0x8a: {  	s1 =	srdreg.scid  }
0x8b: {  	s0 =	sand.u32 $0x1, s1  }
0x8c: {  	s17 =	sshll.u32 s0, $0xA;
	s2 =	sadd.s32 s3, s2  }
0x8d: {  	s2 =	sadd.s32 s2, s17  }
0x8e: {  	[smem:$0x3FC6] =	sst s2  }
0x8f: {  	_ = 	snop  }
0x90: {  	s2 =	sld [smem:$0x3FD0];
	(tm) =	ssettm $0x1  }
0x91: {  	s18 =	sld [smem:$0x3FFB];
	_ =	sdelay $0x3  }
0x92: {  	_ =	strace s18  }
0x93: {  	s3 =	sld [smem:$0x3FFC];
	_ =	sdelay $0x3  }
0x94: {  	_ =	strace s3  }
0x95: {  	s3 =	sld [smem:$0x3FFD];
	_ =	sdelay $0x3  }
0x96: {  	_ =	strace s3  }
0x97: {  	_ =	strace $0x8FFFFFFF  }
0x98: {  	s19 =	sld [smem:$0x3FDB];
	_ =	sdelay $0x1  }
0x99: {  	s4 =	simm.s32 $_scs_section_size  }
0x9a: {  	s5 =	simm.s32 $_size__tile_overlayer_lowered;
	s6 =	simm.s32 $_tile_overlayer_lowered  }
0x9b: {  	s22 =	simm.s32 $0x1BFF;
	s21 =	sshll.u32 s6, $0x1;
	s3 =	sadd.s32 s4, s19  }
0x9c: {  	s7 =	simm.s32 $0x0;
	s20 =	sshll.u32 s5, $0x1;
	s5 =	sadd.s32 s21, s3  }
0x9d: {  	[timem:s7], [sflag:s22] =	dma.local [hbm:s5], s20  }
0x9e: {  	_ =	swait.ge [sflag:s22], s20  }
0x9f: {  	s4 =	ssub.s32 $0x0, s20;
	[sflag:s22] =	ssyncset.done $0x0  }
0xa0: {  	[sflag:s22] =	ssyncadd.s32 s4;
	_ =	sdelay $0x1  }
0xa1: {  	s23 =	simm.s32 $0x1B8B  }
0xa2: {  	_ =	swait.ge [sflag:s23], $0x1  }
0xa3: {  	[sflag:s23] =	ssyncset.done $0x0  }
0xa4: {  	s25 =	simm.s32 $0x1B8E;
	s24 =	sld [smem:$0x3FFE];
	[sflag:s23] =	ssyncadd.s32 $0xFFFFFFFF  }
0xa5: {  	s26 =	simm.s32 $execute0_lowered;
	[smem:$0x3FD2] =	sst s25  }
0xa6: {  	s5 =	sshll.u32 s26, $0x1;
	_ =	strace $0x80000046;
	[dreg:$0x1] =	wrdreg $0xFFFFFFFF  }
0xa7: {  	s28 =	simm.s32 $_size_execute0_lowered;
	s3 =	sadd.s32 s3, s5;
	[dreg:$0x0] =	wrdreg $0x0  }
0xa8: {  	s5 =	sshll.u32 s28, $0x1;
	[dreg:$0x2] =	wrdreg s3  }
0xa9: {  	[dreg:$0x3] =	wrdreg s5  }
0xaa: {  	[dreg:$0x4] =	wrdreg $0xC0  }
0xab: {  	_ =	task [dreg:s7], $0x5FFFF  }
0xac: {  	[dreg:$0x1] =	wrdreg $0xFFFFFFFF  }
0xad: {  	[dreg:$0x0] =	wrdreg $0x60  }
0xae: {  	[dreg:$0x2] =	wrdreg s24  }
0xaf: {  	[dreg:$0x3] =	wrdreg s2  }
0xb0: {  	[dreg:$0x4] =	wrdreg $0x9  }
0xb1: {  	_ =	task.clear_ibuf [dreg:s7], $0x5FFFF;
	_ =	strace $0x90000046  }
0xb2: {  	s29 =	simm.s32 $0x9;
	_ =	strace $0x80000048  }
0xb3: {  	_ =	swait.ge [sflag:s29], $0x1  }
0xb4: {  	[sflag:s29] =	ssyncadd.s32 $0xFFFFFFFF  }
0xb5: {  	_ =	strace $0x90000048  }
0xb6: {  	_ =	sfence  }
0xb7: {  	s30 =	sld [smem:$0x0];
	_ =	sdelay $0x2  }
0xb8: {  	s31 =	sshll.u32 s1, $0xD;
	s1 =	sshrl.u32 s1, $0x2  }
0xb9: {  	s3 =	sand.u32 $0x4000, s31;
	s1 =	sadd.s32 s1, s30  }
0xba: {  	s0 =	sor.u32 s3, s0;
	s1 =	sshll.u32 s1, $0x11  }
0xbb: {  	s0 =	sor.u32 s1, s0  }
0xbc: {  	s0 =	sadd.s32 $0x8F2B, s0  }
0xbd: {  	[sflag:s0] =	ssyncadd.remote.s32 $0x1  }
0xbe: {  	_ =	sfence.sel $0xFFFF  }
0xbf: {  	[dreg:$0x0] =	wrdreg $0xFFFFFFFF;
	(pc) =	sbr.abs _section_cstart, $3  }
0xc0: {  	[dreg:$0x1] =	wrdreg $0xFFFFFFFF  }
0xc1: {  	_ =	task.clear_ibuf [dreg:s7], $0x2FFFF;
	_ =	strace $0x9FFFFFFF  }
0xc2: {  	(tm) =	ssettm $0x7FFFFFFF  }
0xc3: {  	_ =	shalt  }
tec
execute0_lowered:
.L_overlay_start_1:
0x0: {  	(tag) =	ssettag $0x1  }
0x1: {  	s4 =	rddreg [dreg:$0x0]  }
0x2: {  	s5 =	rddreg [dreg:$0x1];
	s2 =	srdreg.scid  }
0x3: {  	s0 =	rddreg [dreg:$0x2];
	s1 =	stileid.u32;
	s11 =	simm.s32 $0x0  }
0x4: {  	s3 =	sand.u32 $0x1, s2;
	s2 =	simm.s32 $0x0;
	s7 =	sshll.u32 s1, $0x1  }
0x5: {  	s6 =	sshll.u32 s3, $0x5;
	[smem:$0x7FF] =	sst s2;
	s30 =	ssub.s32 $0x2, s3  }
0x6: {  	s3 =	sadd.s32 $0xF42A00, s4;
	s9 =	sor.u32 s7, s6;
	s8 =	sshrl.u32 s30, $0x1  }
0x7: {  	_ =	strace $0x80000047;
	s7 =	sshll.u32 s9, $0xB;
	s6 =	ssub.s32 s30, s8  }
0x8: {  	s31 =	sor.u32 $0x1, s9;
	s8 =	simm.s32 $0x80;
	v0 =	vmov s9;
	s9 =	simm.s32 $0x1  }
0x9: {  	s10 =	sadd.s32 s7, s4;
	s4 =	sadd.s32 s5, s7;
	s6 =	smax.u32 s6, $0x1  }
0xa: {  	s7 =	simm.s32 $0x2;
	v1 =	vmov s31;
	s5 =	sadd.s32 $0x600, s10;
	s10 =	simm.s32 $0x8000  }
.LBB2_1:
0xb: {  	[tilespmem:s2], [sflag:$0x2] =	stream.linear.gather [hbm4b:s4+s2], $0x8000, $0x38;
	[tilespmem:$0x10000] =	vst v63  }
0xc: {  	_ =	swait.ge [sflag:s7], $0x8000  }
0xd: {  	[sflag:s7] =	ssyncset.done $0x0  }
0xe: {  	s12 =	sand.u32 $0x3FF0, s2;
	s13 =	simm.s32 $0x10;
	[sflag:s7] =	ssyncadd.s32 $0xFFFF8000  }
.LBB2_2:
0xf: {  	p0 =	sne.s32 s13, $0x3FF0;
	v2 =	vld [tilespmem:s12+$0x0];
	_ =	sdelay $0x2  }
.Ltmp0:
0x10: {  	(pc) =	sbr.rel @p0 .LBB2_2-.Ltmp0, $4  }
0x11: {  	_ = 	snop  }
0x12: {  	v2 =	vshll.u32 v2, $0x6  }
0x13: {  	v2 =	vor.u32 v0, v2  }
0x14: {  	[tilespmem:s12+$0x0] =	vst v2;
	s12 =	sand.u32 $0x3FF0, s13;
	s13 =	sadd.s32 $0x10, s13  }
0x15: {  	v2 =	vld [tilespmem:s12+$0x0];
	_ =	sdelay $0x4  }
0x16: {  	v2 =	vshll.u32 v2, $0x6  }
0x17: {  	s13 =	simm.s32 $0x0;
	v2 =	vor.u32 v0, v2  }
0x18: {  	[tilespmem:s12+$0x0] =	vst v2;
	s12 =	sand.u32 $0x3FF0, s13;
	s13 =	simm.s32 $0x10  }
.LBB2_4:
0x19: {  	p0 =	sne.s32 s13, $0x3FF0;
	v2 =	vld [tilespmem:s12+$0x4000];
	_ =	sdelay $0x2  }
.Ltmp1:
0x1a: {  	(pc) =	sbr.rel @p0 .LBB2_4-.Ltmp1, $4  }
0x1b: {  	_ = 	snop  }
0x1c: {  	v2 =	vshll.u32 v2, $0x6  }
0x1d: {  	v2 =	vor.u32 v1, v2  }
0x1e: {  	[tilespmem:s12+$0x4000] =	vst v2;
	s12 =	sand.u32 $0x3FF0, s13;
	s13 =	sadd.s32 $0x10, s13  }
0x1f: {  	v2 =	vld [tilespmem:s12+$0x4000];
	_ =	sdelay $0x4  }
0x20: {  	v2 =	vshll.u32 v2, $0x6  }
0x21: {  	v2 =	vor.u32 v1, v2  }
0x22: {  	s13 =	simm.s32 $0x0;
	s14 =	simm.s32 $0x8000;
	[tilespmem:s12+$0x4000] =	vst v2;
	s12 =	simm.s32 $0x200  }
.LBB2_6:
0x23: {  	[tilespmem:s14], [sflag:$0x1] =	stream.indirect.gather [hbm4b:s3+s8], $0x1, s13, s8, $0xb8;
	[tilespmem:$0x10000] =	vst v63  }
0x24: {  	s13 =	smov.u32 s12;
	p0 =	sne.s32 s12, $0x1FE00  }
.Ltmp2:
0x25: {  	s12 =	sadd.s32 $0x200, s12;
	(pc) =	sbr.rel @p0 .LBB2_6-.Ltmp2, $3  }
0x26: {  	_ =	sdelay $0x1  }
0x27: {  	s13 =	sshra.s32 s13, $0x2  }
0x28: {  	s14 =	sadd.s32 $0x8000, s13  }
0x29: {  	[tilespmem:s14], [sflag:$0x1] =	stream.indirect.gather [hbm4b:s3+s8], $0x1, s13, s8, $0xb8;
	[tilespmem:$0x10000] =	vst v63  }
0x2a: {  	s11 =	sadd.s32 $0x1, s11;
	_ =	swait.ge [sflag:s9], $0x8000  }
0x2b: {  	p0 =	sne.s32 s11, s6;
	[sflag:s9] =	ssyncset.done $0x0  }
.Ltmp3:
0x2c: {  	[sflag:s9] =	ssyncadd.s32 $0xFFFF8000;
	(pc) =	sbr.rel @p0 .LBB2_1-.Ltmp3, $4  }
0x2d: {  	[hbm4b:s5+s2] =	stream.linear.scatter [tilespmem:s10], [sflag:$0x2], $0x8000, $0x38;
	[tilespmem:$0x10000] =	vst v63  }
0x2e: {  	_ =	swait.ge [sflag:s7], $0x8000  }
0x2f: {  	[sflag:s7] =	ssyncset.done $0x0  }
0x30: {  	[sflag:s7] =	ssyncadd.s32 $0xFFFF8000  }
0x31: {  	_ =	sfence.sel $0x180000  }
0x32: {  	[bflag:$0x0] =	sbarrier.arrive $0xFFFF  }
0x33: {  	p0 =	sne.s32 s1, $0x0;
	_ =	strace $0x90000047  }
0x34: {  	s0 =	sadd.s32 @!p0 $0x100000, s0;
	[bflag:$0x2] =	sbarrier.arrive $0xFFFF  }
0x35: {  	[sflag:s0] =	ssyncadd.tile.s32 @!p0 $0x1;
	_ =	shalt  }
.Lfunc_end2:
_tile_overlayer_lowered:
.L_overlay_start_2:
0x36: {  	(tag) =	ssettag $0x2  }
0x37: {  	s0 =	rddreg [dreg:$0x0];
	s2 =	stileid.u32  }
0x38: {  	s1 =	rddreg [dreg:$0x1];
	p0 =	sne.s32 s2, $0x0  }
0x39: {  	s3 =	rddreg [dreg:$0x2];
	[bflag:$0x3] =	sbarrier.arrive $0xFFFF;
	s2 =	simm.s32 @!p0 $0x1C02  }
0x3a: {  	[timem:s3], [sflag:s2] =	dma.local @!p0 [hbm:s0], s1  }
0x3b: {  	s0 =	simm.s32 @!p0 $0x2  }
0x3c: {  	_ =	swait.ge @!p0 [sflag:s0], s1  }
0x3d: {  	s1 =	ssub.s32 @!p0 $0x0, s1;
	[sflag:s0] =	ssyncset.done @!p0 $0x0  }
0x3e: {  	[sflag:s0] =	ssyncadd.s32 @!p0 s1  }
0x3f: {  	[bflag:$0x3] =	sbarrier.arrive $0xFFFF  }
0x40: {  	_ =	shalt  }

</sc_bundles>
